<compile_context>
chip_gen: v7x
topology: tpu7x:2x2x1
jax: 0.10.2.dev20260603
libtpu: 0.0.44.dev20260713+nightly
codegen_flags: <defaults>
</compile_context>

<pallas_src>
import functools

import jax
import jax.numpy as jnp
from jax.experimental import pallas as pl
from jax.experimental.pallas import tpu as pltpu
from jax.experimental.pallas import tpu_sc as plsc

_B = 8192
_K = 8192

_BT = 6144
_BM = 256

_NC = 2
_NS = 16
_NW = _NC * _NS
_BS = _B - _BT
_RPW = _BS // _NW
_RG = 4
_NG = _RPW // _RG
_CH = _K // 16


def _tc_body(p_ref, a_ref, vote_ref):
    p = p_ref[...]
    a = a_ref[...]
    vote_ref[...] = jnp.sum(p * a, axis=1)


def _tc_vote(probabilities, a2d):
    return pl.pallas_call(
        _tc_body,
        grid=(_BT // _BM,),
        in_specs=[
            pl.BlockSpec((_BM, _K), lambda i: (i, 0)),
            pl.BlockSpec((1, _K), lambda i: (0, 0)),
        ],
        out_specs=pl.BlockSpec((_BM,), lambda i: (i,)),
        out_shape=jax.ShapeDtypeStruct((_BT,), jnp.float32),
        compiler_params=pltpu.CompilerParams(
            dimension_semantics=("parallel",)),
    )(probabilities, a2d)


def _sc_vote_body(p_hbm, a_hbm, out_hbm, a_v, buf, stage, sem0, sem1):
    c = jax.lax.axis_index("c")
    s = jax.lax.axis_index("s")
    wid = s * _NC + c
    base = _BT + wid * _RPW
    pltpu.sync_copy(a_hbm, a_v)
    sems = (sem0, sem1)

    def _start(g, b):
        pltpu.async_copy(
            p_hbm.at[pl.ds(base + g * _RG, _RG), :], buf.at[b], sems[b])

    def _wait(g, b):
        pltpu.make_async_copy(
            p_hbm.at[pl.ds(base + g * _RG, _RG), :], buf.at[b],
            sems[b]).wait()

    _start(0, 0)

    def _outer(o, carry):
        for b in range(2):
            g = o * 2 + b

            @pl.when(g + 1 < _NG)
            def _():
                _start(g + 1, 1 - b)

            _wait(g, b)

            def _jbody(j, accs):
                av = a_v[pl.ds(j * 16, 16)]
                return tuple(
                    accs[r] + buf[b, r, pl.ds(j * 16, 16)] * av
                    for r in range(_RG))

            accs = jax.lax.fori_loop(
                0, _CH, _jbody,
                tuple(jnp.zeros((16,), jnp.float32) for _ in range(_RG)),
                unroll=2)
            for r in range(_RG):
                stage[pl.ds((g * _RG + r) * 16, 16)] = accs[r]
        return carry

    jax.lax.fori_loop(0, _NG // 2, _outer, 0)
    pltpu.sync_copy(stage, out_hbm.at[pl.ds(wid * _RPW * 16, _RPW * 16)])


_sc_vote = functools.partial(
    pl.kernel,
    mesh=plsc.VectorSubcoreMesh(core_axis_name="c", subcore_axis_name="s"),
    out_type=jax.ShapeDtypeStruct((_BS * 16,), jnp.float32),
    scratch_types=[
        pltpu.VMEM((_K,), jnp.float32),
        pltpu.VMEM((2, _RG, _K), jnp.float32),
        pltpu.VMEM((_RPW * 16,), jnp.float32),
        pltpu.SemaphoreType.DMA,
        pltpu.SemaphoreType.DMA,
    ],
)(_sc_vote_body)


def kernel(probabilities, approximations, soft):
    a2d = approximations.reshape(1, _K)
    vote_tc = _tc_vote(probabilities, a2d)
    partials = _sc_vote(probabilities, approximations)
    vote_sc = jnp.sum(partials.reshape(_BS, 16), axis=1)
    return jnp.concatenate([vote_tc, vote_sc])

# --- scband reference (transcript-rebuilt; emitter-appended) ---
"""Pipeline reference for scband-wtac-rlvq-38955353374973 (READ-ONLY COPY).

The authoritative reference and input builder live on the scoring server;
editing this copy changes nothing except your own understanding.
"""

import jax, jax.numpy as jnp
import numpy as np

B = 8192
K = 8192

def setup_inputs(seed: int = 0) -> dict:
    key = jax.random.key(seed)
    k1, k2 = jax.random.split(key)
    probabilities = jax.random.uniform(k1, (B, K), dtype=jnp.float32)
    approximations = jax.random.normal(k2, (K,), dtype=jnp.float32)
    soft = True
    return {"probabilities": probabilities, "approximations": approximations, "soft": soft}

def reference(probabilities, approximations, soft):
    # Faithful translation of WTAC_RLVQ.forward / wtac_rlvq
    # soft vote: probability-weighted sum of prototype approximations -> [B]
    soft_vote = jnp.sum(approximations * probabilities, axis=1)
    # winner-take-all: gather approximation of max-probability prototype -> [B]
    winning_indices = jnp.argmax(probabilities, axis=1)
    winner_preds = approximations[winning_indices]
    return jnp.where(soft, soft_vote, winner_preds)

if __name__ == "__main__":
    import jax
    _d = setup_inputs()
    print(jax.jit(kernel)(*tuple(_d.values())))

</pallas_src>

<mosaic_0001>
#map = affine_map<(d0, d1) -> (0, 0)>
#map1 = affine_map<(d0, d1) -> (0)>
module attributes {stable_mosaic.version = 14 : i64} {
  func.func @_sc_vote_body(%arg0: i32, %arg1: i32, %arg2: memref<8192x8192xf32, #tpu.memory_space<hbm>>, %arg3: memref<8192xf32, #tpu.memory_space<hbm>>, %arg4: memref<32768xf32, #tpu.memory_space<hbm>>, %arg5: memref<8192xf32, #tpu.memory_space<vmem>>, %arg6: memref<2x4x8192xf32, #tpu.memory_space<vmem>>, %arg7: memref<1024xf32, #tpu.memory_space<vmem>>, %arg8: memref<!tpu.dma_semaphore, #tpu.memory_space<semaphore_mem>>, %arg9: memref<!tpu.dma_semaphore, #tpu.memory_space<semaphore_mem>>) attributes {dimension_semantics = [#tpu.dimension_semantics<core_parallel>, #tpu.dimension_semantics<subcore_parallel>], iteration_bounds = array<i64: 2, 16>, scalar_prefetch = 0 : i64, scratch_operands = 5 : i64, tpu.core_type = #tpu.core_type<sc_vector_subcore>, window_params = [{transform_indices = #map}, {transform_indices = #map1}, {transform_indices = #map1}]} {
    %mul3A = arith.constant 2 : i32
    %mul3A_0 = arith.muli %arg1, %mul3A : i32
    %add3A = arith.addi %mul3A_0, %arg0 : i32
    %mul3A_1 = arith.constant 64 : i32
    %mul3A_2 = arith.muli %add3A, %mul3A_1 : i32
    %add3A_3 = arith.constant 6144 : i32
    %add3A_4 = arith.addi %add3A_3, %mul3A_2 : i32
    "tpu.region"() ({
      %run_scoped3A = tpu.sem_alloc : memref<!tpu.dma_semaphore, #tpu.memory_space<semaphore_mem>>
      tpu.enqueue_dma source(%arg3 : memref<8192xf32, #tpu.memory_space<hbm>>) target(%arg5 : memref<8192xf32, #tpu.memory_space<vmem>>) target_semaphore(%run_scoped3A : memref<!tpu.dma_semaphore, #tpu.memory_space<semaphore_mem>>)
      tpu.wait_dma2 semaphore(%run_scoped3A : memref<!tpu.dma_semaphore, #tpu.memory_space<semaphore_mem>>) src(%arg3 : memref<8192xf32, #tpu.memory_space<hbm>>) dst(%arg5 : memref<8192xf32, #tpu.memory_space<vmem>>)
      tpu.yield
    }) : () -> ()
    %add3A_5 = arith.constant 0 : i32
    %add3A_6 = arith.addi %add3A_4, %add3A_5 : i32
    %dma_start3A = arith.constant 0 : i32
    %dma_start3A_7 = arith.constant 0 : i32
    %dma_start3A_8 = arith.constant 0 : i32
    %dma_start3A_9 = tpu.memref_slice %arg6[%dma_start3A, %dma_start3A_7, %dma_start3A_8] : memref<2x4x8192xf32, #tpu.memory_space<vmem>> -> memref<1x4x8192xf32, #tpu.memory_space<vmem>>
    %dma_start3A_10 = tpu.memref_squeeze %dma_start3A_9 : memref<1x4x8192xf32, #tpu.memory_space<vmem>> -> memref<4x8192xf32, #tpu.memory_space<vmem>>
    %dma_start3A_11 = arith.constant 0 : i32
    %dma_start3A_12 = tpu.memref_slice %arg2[%add3A_6, %dma_start3A_11] : memref<8192x8192xf32, #tpu.memory_space<hbm>> -> memref<4x8192xf32, #tpu.memory_space<hbm>>
    %dma_start3A_13 = arith.constant 0 : i32
    %dma_start3A_14 = arith.constant 0 : i32
    %dma_start3A_15 = tpu.memref_slice %arg6[%dma_start3A, %dma_start3A_13, %dma_start3A_14] : memref<2x4x8192xf32, #tpu.memory_space<vmem>> -> memref<1x4x8192xf32, #tpu.memory_space<vmem>>
    %dma_start3A_16 = tpu.memref_squeeze %dma_start3A_15 : memref<1x4x8192xf32, #tpu.memory_space<vmem>> -> memref<4x8192xf32, #tpu.memory_space<vmem>>
    %dma_start3A_17 = arith.constant 0 : i32
    %dma_start3A_18 = tpu.memref_slice %arg2[%add3A_6, %dma_start3A_17] : memref<8192x8192xf32, #tpu.memory_space<hbm>> -> memref<4x8192xf32, #tpu.memory_space<hbm>>
    tpu.enqueue_dma source(%dma_start3A_18 : memref<4x8192xf32, #tpu.memory_space<hbm>>) target(%dma_start3A_16 : memref<4x8192xf32, #tpu.memory_space<vmem>>) target_semaphore(%arg8 : memref<!tpu.dma_semaphore, #tpu.memory_space<semaphore_mem>>)
    %scan3A = arith.constant 0 : i32
    %scan3A_19 = arith.constant 0 : i32
    %scan3A_20 = arith.constant 8 : i32
    %scan3A_21 = arith.addi %scan3A_19, %scan3A_20 : i32
    %scan3A_22 = arith.constant 1 : i32
    scf.for %scan3A_28 = %scan3A_19 to %scan3A_21 step %scan3A_22  : i32 {
      %mul3A_29 = arith.constant 2 : i32
      %mul3A_30 = arith.muli %scan3A_28, %mul3A_29 : i32
      %add3A_31 = arith.constant 0 : i32
      %add3A_32 = arith.addi %mul3A_30, %add3A_31 : i32
      %add3A_33 = arith.constant 1 : i32
      %add3A_34 = arith.addi %add3A_32, %add3A_33 : i32
      %lt3A = arith.constant 16 : i32
      %lt3A_35 = arith.cmpi slt, %add3A_34, %lt3A : i32
      %convert_element_type3A = arith.extui %lt3A_35 : i1 to i32
      %cond3A = arith.constant 0 : i32
      %cond3A_36 = arith.cmpi ne, %convert_element_type3A, %cond3A : i32
      scf.if %cond3A_36 {
        %add3A_185 = arith.constant 1 : i32
        %add3A_186 = arith.addi %add3A_32, %add3A_185 : i32
        %mul3A_187 = arith.constant 4 : i32
        %mul3A_188 = arith.muli %add3A_186, %mul3A_187 : i32
        %add3A_189 = arith.addi %add3A_4, %mul3A_188 : i32
        %dma_start3A_190 = arith.constant 1 : i32
        %dma_start3A_191 = arith.constant 0 : i32
        %dma_start3A_192 = arith.constant 0 : i32
        %dma_start3A_193 = tpu.memref_slice %arg6[%dma_start3A_190, %dma_start3A_191, %dma_start3A_192] : memref<2x4x8192xf32, #tpu.memory_space<vmem>> -> memref<1x4x8192xf32, #tpu.memory_space<vmem>>
        %dma_start3A_194 = tpu.memref_squeeze %dma_start3A_193 : memref<1x4x8192xf32, #tpu.memory_space<vmem>> -> memref<4x8192xf32, #tpu.memory_space<vmem>>
        %dma_start3A_195 = arith.constant 0 : i32
        %dma_start3A_196 = tpu.memref_slice %arg2[%add3A_189, %dma_start3A_195] : memref<8192x8192xf32, #tpu.memory_space<hbm>> -> memref<4x8192xf32, #tpu.memory_space<hbm>>
        %dma_start3A_197 = arith.constant 0 : i32
        %dma_start3A_198 = arith.constant 0 : i32
        %dma_start3A_199 = tpu.memref_slice %arg6[%dma_start3A_190, %dma_start3A_197, %dma_start3A_198] : memref<2x4x8192xf32, #tpu.memory_space<vmem>> -> memref<1x4x8192xf32, #tpu.memory_space<vmem>>
        %dma_start3A_200 = tpu.memref_squeeze %dma_start3A_199 : memref<1x4x8192xf32, #tpu.memory_space<vmem>> -> memref<4x8192xf32, #tpu.memory_space<vmem>>
        %dma_start3A_201 = arith.constant 0 : i32
        %dma_start3A_202 = tpu.memref_slice %arg2[%add3A_189, %dma_start3A_201] : memref<8192x8192xf32, #tpu.memory_space<hbm>> -> memref<4x8192xf32, #tpu.memory_space<hbm>>
        tpu.enqueue_dma source(%dma_start3A_202 : memref<4x8192xf32, #tpu.memory_space<hbm>>) target(%dma_start3A_200 : memref<4x8192xf32, #tpu.memory_space<vmem>>) target_semaphore(%arg9 : memref<!tpu.dma_semaphore, #tpu.memory_space<semaphore_mem>>)
      } else {
      }
      %mul3A_37 = arith.constant 4 : i32
      %mul3A_38 = arith.muli %add3A_32, %mul3A_37 : i32
      %add3A_39 = arith.addi %add3A_4, %mul3A_38 : i32
      %dma_wait3A = arith.constant 0 : i32
      %dma_wait3A_40 = arith.constant 0 : i32
      %dma_wait3A_41 = arith.constant 0 : i32
      %dma_wait3A_42 = tpu.memref_slice %arg6[%dma_wait3A, %dma_wait3A_40, %dma_wait3A_41] : memref<2x4x8192xf32, #tpu.memory_space<vmem>> -> memref<1x4x8192xf32, #tpu.memory_space<vmem>>
      %dma_wait3A_43 = tpu.memref_squeeze %dma_wait3A_42 : memref<1x4x8192xf32, #tpu.memory_space<vmem>> -> memref<4x8192xf32, #tpu.memory_space<vmem>>
      %dma_wait3A_44 = arith.constant 0 : i32
      %dma_wait3A_45 = tpu.memref_slice %arg2[%add3A_39, %dma_wait3A_44] : memref<8192x8192xf32, #tpu.memory_space<hbm>> -> memref<4x8192xf32, #tpu.memory_space<hbm>>
      %dma_wait3A_46 = arith.constant 0 : i32
      %dma_wait3A_47 = arith.constant 0 : i32
      %dma_wait3A_48 = tpu.memref_slice %arg6[%dma_wait3A, %dma_wait3A_46, %dma_wait3A_47] : memref<2x4x8192xf32, #tpu.memory_space<vmem>> -> memref<1x4x8192xf32, #tpu.memory_space<vmem>>
      %dma_wait3A_49 = tpu.memref_squeeze %dma_wait3A_48 : memref<1x4x8192xf32, #tpu.memory_space<vmem>> -> memref<4x8192xf32, #tpu.memory_space<vmem>>
      %dma_wait3A_50 = arith.constant 0 : i32
      %dma_wait3A_51 = tpu.memref_slice %arg2[%add3A_39, %dma_wait3A_50] : memref<8192x8192xf32, #tpu.memory_space<hbm>> -> memref<4x8192xf32, #tpu.memory_space<hbm>>
      tpu.wait_dma2 semaphore(%arg8 : memref<!tpu.dma_semaphore, #tpu.memory_space<semaphore_mem>>) src(%dma_wait3A_51 : memref<4x8192xf32, #tpu.memory_space<hbm>>) dst(%dma_wait3A_49 : memref<4x8192xf32, #tpu.memory_space<vmem>>)
      %broadcast_in_dim3A = arith.constant 0.000000e+00 : f32
      %broadcast_in_dim3A_52 = vector.broadcast %broadcast_in_dim3A : f32 to vector<16xf32>
      %broadcast_in_dim3A_53 = arith.constant 0.000000e+00 : f32
      %broadcast_in_dim3A_54 = vector.broadcast %broadcast_in_dim3A_53 : f32 to vector<16xf32>
      %broadcast_in_dim3A_55 = arith.constant 0.000000e+00 : f32
      %broadcast_in_dim3A_56 = vector.broadcast %broadcast_in_dim3A_55 : f32 to vector<16xf32>
      %broadcast_in_dim3A_57 = arith.constant 0.000000e+00 : f32
      %broadcast_in_dim3A_58 = vector.broadcast %broadcast_in_dim3A_57 : f32 to vector<16xf32>
      %scan3A_59 = arith.constant 0 : i32
      %scan3A_60 = arith.constant 512 : i32
      %scan3A_61 = arith.addi %scan3A_59, %scan3A_60 : i32
      %scan3A_62 = arith.constant 2 : i32
      %scan3A_63:4 = scf.for %scan3A_185 = %scan3A_59 to %scan3A_61 step %scan3A_62 iter_args(%scan3A_186 = %broadcast_in_dim3A_52, %scan3A_187 = %broadcast_in_dim3A_54, %scan3A_188 = %broadcast_in_dim3A_56, %scan3A_189 = %broadcast_in_dim3A_58) -> (vector<16xf32>, vector<16xf32>, vector<16xf32>, vector<16xf32>)  : i32 {
        %mul3A_190 = arith.constant 16 : i32
        %mul3A_191 = arith.muli %scan3A_185, %mul3A_190 : i32
        %get3A = arith.index_cast %mul3A_191 : i32 to index
        %get3A_192 = tpu.vector_load %arg5[%get3A] {strides = array<i32>} : memref<8192xf32, #tpu.memory_space<vmem>>, vector<16xf32>,
        %get3A_193 = vector.shape_cast %get3A_192 : vector<16xf32> to vector<16xf32>
        %mul3A_194 = arith.constant 16 : i32
        %mul3A_195 = arith.muli %scan3A_185, %mul3A_194 : i32
        %get3A_196 = arith.constant 0 : i32
        %get3A_197 = arith.constant 0 : i32
        %get3A_198 = arith.index_cast %get3A_196 : i32 to index
        %get3A_199 = arith.index_cast %get3A_197 : i32 to index
        %get3A_200 = arith.index_cast %mul3A_195 : i32 to index
        %get3A_201 = tpu.vector_load %arg6[%get3A_198, %get3A_199, %get3A_200] {strides = array<i32>} : memref<2x4x8192xf32, #tpu.memory_space<vmem>>, vector<1x1x16xf32>,
        %get3A_202 = vector.shape_cast %get3A_201 : vector<1x1x16xf32> to vector<16xf32>
        %mul3A_203 = arith.mulf %get3A_202, %get3A_193 : vector<16xf32>
        %add3A_204 = arith.addf %scan3A_186, %mul3A_203 : vector<16xf32>
        %mul3A_205 = arith.constant 16 : i32
        %mul3A_206 = arith.muli %scan3A_185, %mul3A_205 : i32
        %get3A_207 = arith.constant 0 : i32
        %get3A_208 = arith.constant 1 : i32
        %get3A_209 = arith.index_cast %get3A_207 : i32 to index
        %get3A_210 = arith.index_cast %get3A_208 : i32 to index
        %get3A_211 = arith.index_cast %mul3A_206 : i32 to index
        %get3A_212 = tpu.vector_load %arg6[%get3A_209, %get3A_210, %get3A_211] {strides = array<i32>} : memref<2x4x8192xf32, #tpu.memory_space<vmem>>, vector<1x1x16xf32>,
        %get3A_213 = vector.shape_cast %get3A_212 : vector<1x1x16xf32> to vector<16xf32>
        %mul3A_214 = arith.mulf %get3A_213, %get3A_193 : vector<16xf32>
        %add3A_215 = arith.addf %scan3A_187, %mul3A_214 : vector<16xf32>
        %mul3A_216 = arith.constant 16 : i32
        %mul3A_217 = arith.muli %scan3A_185, %mul3A_216 : i32
        %get3A_218 = arith.constant 0 : i32
        %get3A_219 = arith.constant 2 : i32
        %get3A_220 = arith.index_cast %get3A_218 : i32 to index
        %get3A_221 = arith.index_cast %get3A_219 : i32 to index
        %get3A_222 = arith.index_cast %mul3A_217 : i32 to index
        %get3A_223 = tpu.vector_load %arg6[%get3A_220, %get3A_221, %get3A_222] {strides = array<i32>} : memref<2x4x8192xf32, #tpu.memory_space<vmem>>, vector<1x1x16xf32>,
        %get3A_224 = vector.shape_cast %get3A_223 : vector<1x1x16xf32> to vector<16xf32>
        %mul3A_225 = arith.mulf %get3A_224, %get3A_193 : vector<16xf32>
        %add3A_226 = arith.addf %scan3A_188, %mul3A_225 : vector<16xf32>
        %mul3A_227 = arith.constant 16 : i32
        %mul3A_228 = arith.muli %scan3A_185, %mul3A_227 : i32
        %get3A_229 = arith.constant 0 : i32
        %get3A_230 = arith.constant 3 : i32
        %get3A_231 = arith.index_cast %get3A_229 : i32 to index
        %get3A_232 = arith.index_cast %get3A_230 : i32 to index
        %get3A_233 = arith.index_cast %mul3A_228 : i32 to index
        %get3A_234 = tpu.vector_load %arg6[%get3A_231, %get3A_232, %get3A_233] {strides = array<i32>} : memref<2x4x8192xf32, #tpu.memory_space<vmem>>, vector<1x1x16xf32>,
        %get3A_235 = vector.shape_cast %get3A_234 : vector<1x1x16xf32> to vector<16xf32>
        %mul3A_236 = arith.mulf %get3A_235, %get3A_193 : vector<16xf32>
        %add3A_237 = arith.addf %scan3A_189, %mul3A_236 : vector<16xf32>
        %scan3A_238 = arith.constant 1 : i32
        %scan3A_239 = arith.addi %scan3A_185, %scan3A_238 : i32
        %mul3A_240 = arith.constant 16 : i32
        %mul3A_241 = arith.muli %scan3A_239, %mul3A_240 : i32
        %get3A_242 = arith.index_cast %mul3A_241 : i32 to index
        %get3A_243 = tpu.vector_load %arg5[%get3A_242] {strides = array<i32>} : memref<8192xf32, #tpu.memory_space<vmem>>, vector<16xf32>,
        %get3A_244 = vector.shape_cast %get3A_243 : vector<16xf32> to vector<16xf32>
        %mul3A_245 = arith.constant 16 : i32
        %mul3A_246 = arith.muli %scan3A_239, %mul3A_245 : i32
        %get3A_247 = arith.constant 0 : i32
        %get3A_248 = arith.constant 0 : i32
        %get3A_249 = arith.index_cast %get3A_247 : i32 to index
        %get3A_250 = arith.index_cast %get3A_248 : i32 to index
        %get3A_251 = arith.index_cast %mul3A_246 : i32 to index
        %get3A_252 = tpu.vector_load %arg6[%get3A_249, %get3A_250, %get3A_251] {strides = array<i32>} : memref<2x4x8192xf32, #tpu.memory_space<vmem>>, vector<1x1x16xf32>,
        %get3A_253 = vector.shape_cast %get3A_252 : vector<1x1x16xf32> to vector<16xf32>
        %mul3A_254 = arith.mulf %get3A_253, %get3A_244 : vector<16xf32>
        %add3A_255 = arith.addf %add3A_204, %mul3A_254 : vector<16xf32>
        %mul3A_256 = arith.constant 16 : i32
        %mul3A_257 = arith.muli %scan3A_239, %mul3A_256 : i32
        %get3A_258 = arith.constant 0 : i32
        %get3A_259 = arith.constant 1 : i32
        %get3A_260 = arith.index_cast %get3A_258 : i32 to index
        %get3A_261 = arith.index_cast %get3A_259 : i32 to index
        %get3A_262 = arith.index_cast %mul3A_257 : i32 to index
        %get3A_263 = tpu.vector_load %arg6[%get3A_260, %get3A_261, %get3A_262] {strides = array<i32>} : memref<2x4x8192xf32, #tpu.memory_space<vmem>>, vector<1x1x16xf32>,
        %get3A_264 = vector.shape_cast %get3A_263 : vector<1x1x16xf32> to vector<16xf32>
        %mul3A_265 = arith.mulf %get3A_264, %get3A_244 : vector<16xf32>
        %add3A_266 = arith.addf %add3A_215, %mul3A_265 : vector<16xf32>
        %mul3A_267 = arith.constant 16 : i32
        %mul3A_268 = arith.muli %scan3A_239, %mul3A_267 : i32
        %get3A_269 = arith.constant 0 : i32
        %get3A_270 = arith.constant 2 : i32
        %get3A_271 = arith.index_cast %get3A_269 : i32 to index
        %get3A_272 = arith.index_cast %get3A_270 : i32 to index
        %get3A_273 = arith.index_cast %mul3A_268 : i32 to index
        %get3A_274 = tpu.vector_load %arg6[%get3A_271, %get3A_272, %get3A_273] {strides = array<i32>} : memref<2x4x8192xf32, #tpu.memory_space<vmem>>, vector<1x1x16xf32>,
        %get3A_275 = vector.shape_cast %get3A_274 : vector<1x1x16xf32> to vector<16xf32>
        %mul3A_276 = arith.mulf %get3A_275, %get3A_244 : vector<16xf32>
        %add3A_277 = arith.addf %add3A_226, %mul3A_276 : vector<16xf32>
        %mul3A_278 = arith.constant 16 : i32
        %mul3A_279 = arith.muli %scan3A_239, %mul3A_278 : i32
        %get3A_280 = arith.constant 0 : i32
        %get3A_281 = arith.constant 3 : i32
        %get3A_282 = arith.index_cast %get3A_280 : i32 to index
        %get3A_283 = arith.index_cast %get3A_281 : i32 to index
        %get3A_284 = arith.index_cast %mul3A_279 : i32 to index
        %get3A_285 = tpu.vector_load %arg6[%get3A_282, %get3A_283, %get3A_284] {strides = array<i32>} : memref<2x4x8192xf32, #tpu.memory_space<vmem>>, vector<1x1x16xf32>,
        %get3A_286 = vector.shape_cast %get3A_285 : vector<1x1x16xf32> to vector<16xf32>
        %mul3A_287 = arith.mulf %get3A_286, %get3A_244 : vector<16xf32>
        %add3A_288 = arith.addf %add3A_237, %mul3A_287 : vector<16xf32>
        scf.yield %add3A_255, %add3A_266, %add3A_277, %add3A_288 : vector<16xf32>, vector<16xf32>, vector<16xf32>, vector<16xf32>
      }
      %scan3A_64 = arith.constant 512 : i32
      %mul3A_65 = arith.constant 4 : i32
      %mul3A_66 = arith.muli %add3A_32, %mul3A_65 : i32
      %add3A_67 = arith.constant 0 : i32
      %add3A_68 = arith.addi %mul3A_66, %add3A_67 : i32
      %mul3A_69 = arith.constant 16 : i32
      %mul3A_70 = arith.muli %add3A_68, %mul3A_69 : i32
      %swap3A = arith.index_cast %mul3A_70 : i32 to index
      %swap3A_71 = tpu.vector_load %arg7[%swap3A] {strides = array<i32>} : memref<1024xf32, #tpu.memory_space<vmem>>, vector<16xf32>,
      %swap3A_72 = vector.shape_cast %swap3A_71 : vector<16xf32> to vector<16xf32>
      %swap3A_73 = vector.shape_cast %scan3A_63#0 : vector<16xf32> to vector<16xf32>
      tpu.vector_store %arg7[%swap3A], %swap3A_73 {strides = array<i32>} : memref<1024xf32, #tpu.memory_space<vmem>>, vector<16xf32>,
      %mul3A_74 = arith.constant 4 : i32
      %mul3A_75 = arith.muli %add3A_32, %mul3A_74 : i32
      %add3A_76 = arith.constant 1 : i32
      %add3A_77 = arith.addi %mul3A_75, %add3A_76 : i32
      %mul3A_78 = arith.constant 16 : i32
      %mul3A_79 = arith.muli %add3A_77, %mul3A_78 : i32
      %swap3A_80 = arith.index_cast %mul3A_79 : i32 to index
      %swap3A_81 = tpu.vector_load %arg7[%swap3A_80] {strides = array<i32>} : memref<1024xf32, #tpu.memory_space<vmem>>, vector<16xf32>,
      %swap3A_82 = vector.shape_cast %swap3A_81 : vector<16xf32> to vector<16xf32>
      %swap3A_83 = vector.shape_cast %scan3A_63#1 : vector<16xf32> to vector<16xf32>
      tpu.vector_store %arg7[%swap3A_80], %swap3A_83 {strides = array<i32>} : memref<1024xf32, #tpu.memory_space<vmem>>, vector<16xf32>,
      %mul3A_84 = arith.constant 4 : i32
      %mul3A_85 = arith.muli %add3A_32, %mul3A_84 : i32
      %add3A_86 = arith.constant 2 : i32
      %add3A_87 = arith.addi %mul3A_85, %add3A_86 : i32
      %mul3A_88 = arith.constant 16 : i32
      %mul3A_89 = arith.muli %add3A_87, %mul3A_88 : i32
      %swap3A_90 = arith.index_cast %mul3A_89 : i32 to index
      %swap3A_91 = tpu.vector_load %arg7[%swap3A_90] {strides = array<i32>} : memref<1024xf32, #tpu.memory_space<vmem>>, vector<16xf32>,
      %swap3A_92 = vector.shape_cast %swap3A_91 : vector<16xf32> to vector<16xf32>
      %swap3A_93 = vector.shape_cast %scan3A_63#2 : vector<16xf32> to vector<16xf32>
      tpu.vector_store %arg7[%swap3A_90], %swap3A_93 {strides = array<i32>} : memref<1024xf32, #tpu.memory_space<vmem>>, vector<16xf32>,
      %mul3A_94 = arith.constant 4 : i32
      %mul3A_95 = arith.muli %add3A_32, %mul3A_94 : i32
      %add3A_96 = arith.constant 3 : i32
      %add3A_97 = arith.addi %mul3A_95, %add3A_96 : i32
      %mul3A_98 = arith.constant 16 : i32
      %mul3A_99 = arith.muli %add3A_97, %mul3A_98 : i32
      %swap3A_100 = arith.index_cast %mul3A_99 : i32 to index
      %swap3A_101 = tpu.vector_load %arg7[%swap3A_100] {strides = array<i32>} : memref<1024xf32, #tpu.memory_space<vmem>>, vector<16xf32>,
      %swap3A_102 = vector.shape_cast %swap3A_101 : vector<16xf32> to vector<16xf32>
      %swap3A_103 = vector.shape_cast %scan3A_63#3 : vector<16xf32> to vector<16xf32>
      tpu.vector_store %arg7[%swap3A_100], %swap3A_103 {strides = array<i32>} : memref<1024xf32, #tpu.memory_space<vmem>>, vector<16xf32>,
      %mul3A_104 = arith.constant 2 : i32
      %mul3A_105 = arith.muli %scan3A_28, %mul3A_104 : i32
      %add3A_106 = arith.constant 1 : i32
      %add3A_107 = arith.addi %mul3A_105, %add3A_106 : i32
      %add3A_108 = arith.constant 1 : i32
      %add3A_109 = arith.addi %add3A_107, %add3A_108 : i32
      %lt3A_110 = arith.constant 16 : i32
      %lt3A_111 = arith.cmpi slt, %add3A_109, %lt3A_110 : i32
      %convert_element_type3A_112 = arith.extui %lt3A_111 : i1 to i32
      %cond3A_113 = arith.constant 0 : i32
      %cond3A_114 = arith.cmpi ne, %convert_element_type3A_112, %cond3A_113 : i32
      scf.if %cond3A_114 {
        %add3A_185 = arith.constant 1 : i32
        %add3A_186 = arith.addi %add3A_107, %add3A_185 : i32
        %mul3A_187 = arith.constant 4 : i32
        %mul3A_188 = arith.muli %add3A_186, %mul3A_187 : i32
        %add3A_189 = arith.addi %add3A_4, %mul3A_188 : i32
        %dma_start3A_190 = arith.constant 0 : i32
        %dma_start3A_191 = arith.constant 0 : i32
        %dma_start3A_192 = arith.constant 0 : i32
        %dma_start3A_193 = tpu.memref_slice %arg6[%dma_start3A_190, %dma_start3A_191, %dma_start3A_192] : memref<2x4x8192xf32, #tpu.memory_space<vmem>> -> memref<1x4x8192xf32, #tpu.memory_space<vmem>>
        %dma_start3A_194 = tpu.memref_squeeze %dma_start3A_193 : memref<1x4x8192xf32, #tpu.memory_space<vmem>> -> memref<4x8192xf32, #tpu.memory_space<vmem>>
        %dma_start3A_195 = arith.constant 0 : i32
        %dma_start3A_196 = tpu.memref_slice %arg2[%add3A_189, %dma_start3A_195] : memref<8192x8192xf32, #tpu.memory_space<hbm>> -> memref<4x8192xf32, #tpu.memory_space<hbm>>
        %dma_start3A_197 = arith.constant 0 : i32
        %dma_start3A_198 = arith.constant 0 : i32
        %dma_start3A_199 = tpu.memref_slice %arg6[%dma_start3A_190, %dma_start3A_197, %dma_start3A_198] : memref<2x4x8192xf32, #tpu.memory_space<vmem>> -> memref<1x4x8192xf32, #tpu.memory_space<vmem>>
        %dma_start3A_200 = tpu.memref_squeeze %dma_start3A_199 : memref<1x4x8192xf32, #tpu.memory_space<vmem>> -> memref<4x8192xf32, #tpu.memory_space<vmem>>
        %dma_start3A_201 = arith.constant 0 : i32
        %dma_start3A_202 = tpu.memref_slice %arg2[%add3A_189, %dma_start3A_201] : memref<8192x8192xf32, #tpu.memory_space<hbm>> -> memref<4x8192xf32, #tpu.memory_space<hbm>>
        tpu.enqueue_dma source(%dma_start3A_202 : memref<4x8192xf32, #tpu.memory_space<hbm>>) target(%dma_start3A_200 : memref<4x8192xf32, #tpu.memory_space<vmem>>) target_semaphore(%arg8 : memref<!tpu.dma_semaphore, #tpu.memory_space<semaphore_mem>>)
      } else {
      }
      %mul3A_115 = arith.constant 4 : i32
      %mul3A_116 = arith.muli %add3A_107, %mul3A_115 : i32
      %add3A_117 = arith.addi %add3A_4, %mul3A_116 : i32
      %dma_wait3A_118 = arith.constant 1 : i32
      %dma_wait3A_119 = arith.constant 0 : i32
      %dma_wait3A_120 = arith.constant 0 : i32
      %dma_wait3A_121 = tpu.memref_slice %arg6[%dma_wait3A_118, %dma_wait3A_119, %dma_wait3A_120] : memref<2x4x8192xf32, #tpu.memory_space<vmem>> -> memref<1x4x8192xf32, #tpu.memory_space<vmem>>
      %dma_wait3A_122 = tpu.memref_squeeze %dma_wait3A_121 : memref<1x4x8192xf32, #tpu.memory_space<vmem>> -> memref<4x8192xf32, #tpu.memory_space<vmem>>
      %dma_wait3A_123 = arith.constant 0 : i32
      %dma_wait3A_124 = tpu.memref_slice %arg2[%add3A_117, %dma_wait3A_123] : memref<8192x8192xf32, #tpu.memory_space<hbm>> -> memref<4x8192xf32, #tpu.memory_space<hbm>>
      %dma_wait3A_125 = arith.constant 0 : i32
      %dma_wait3A_126 = arith.constant 0 : i32
      %dma_wait3A_127 = tpu.memref_slice %arg6[%dma_wait3A_118, %dma_wait3A_125, %dma_wait3A_126] : memref<2x4x8192xf32, #tpu.memory_space<vmem>> -> memref<1x4x8192xf32, #tpu.memory_space<vmem>>
      %dma_wait3A_128 = tpu.memref_squeeze %dma_wait3A_127 : memref<1x4x8192xf32, #tpu.memory_space<vmem>> -> memref<4x8192xf32, #tpu.memory_space<vmem>>
      %dma_wait3A_129 = arith.constant 0 : i32
      %dma_wait3A_130 = tpu.memref_slice %arg2[%add3A_117, %dma_wait3A_129] : memref<8192x8192xf32, #tpu.memory_space<hbm>> -> memref<4x8192xf32, #tpu.memory_space<hbm>>
      tpu.wait_dma2 semaphore(%arg9 : memref<!tpu.dma_semaphore, #tpu.memory_space<semaphore_mem>>) src(%dma_wait3A_130 : memref<4x8192xf32, #tpu.memory_space<hbm>>) dst(%dma_wait3A_128 : memref<4x8192xf32, #tpu.memory_space<vmem>>)
      %broadcast_in_dim3A_131 = arith.constant 0.000000e+00 : f32
      %broadcast_in_dim3A_132 = vector.broadcast %broadcast_in_dim3A_131 : f32 to vector<16xf32>
      %broadcast_in_dim3A_133 = arith.constant 0.000000e+00 : f32
      %broadcast_in_dim3A_134 = vector.broadcast %broadcast_in_dim3A_133 : f32 to vector<16xf32>
      %broadcast_in_dim3A_135 = arith.constant 0.000000e+00 : f32
      %broadcast_in_dim3A_136 = vector.broadcast %broadcast_in_dim3A_135 : f32 to vector<16xf32>
      %broadcast_in_dim3A_137 = arith.constant 0.000000e+00 : f32
      %broadcast_in_dim3A_138 = vector.broadcast %broadcast_in_dim3A_137 : f32 to vector<16xf32>
      %scan3A_139 = arith.constant 0 : i32
      %scan3A_140 = arith.constant 512 : i32
      %scan3A_141 = arith.addi %scan3A_139, %scan3A_140 : i32
      %scan3A_142 = arith.constant 2 : i32
      %scan3A_143:4 = scf.for %scan3A_185 = %scan3A_139 to %scan3A_141 step %scan3A_142 iter_args(%scan3A_186 = %broadcast_in_dim3A_132, %scan3A_187 = %broadcast_in_dim3A_134, %scan3A_188 = %broadcast_in_dim3A_136, %scan3A_189 = %broadcast_in_dim3A_138) -> (vector<16xf32>, vector<16xf32>, vector<16xf32>, vector<16xf32>)  : i32 {
        %mul3A_190 = arith.constant 16 : i32
        %mul3A_191 = arith.muli %scan3A_185, %mul3A_190 : i32
        %get3A = arith.index_cast %mul3A_191 : i32 to index
        %get3A_192 = tpu.vector_load %arg5[%get3A] {strides = array<i32>} : memref<8192xf32, #tpu.memory_space<vmem>>, vector<16xf32>,
        %get3A_193 = vector.shape_cast %get3A_192 : vector<16xf32> to vector<16xf32>
        %mul3A_194 = arith.constant 16 : i32
        %mul3A_195 = arith.muli %scan3A_185, %mul3A_194 : i32
        %get3A_196 = arith.constant 1 : i32
        %get3A_197 = arith.constant 0 : i32
        %get3A_198 = arith.index_cast %get3A_196 : i32 to index
        %get3A_199 = arith.index_cast %get3A_197 : i32 to index
        %get3A_200 = arith.index_cast %mul3A_195 : i32 to index
        %get3A_201 = tpu.vector_load %arg6[%get3A_198, %get3A_199, %get3A_200] {strides = array<i32>} : memref<2x4x8192xf32, #tpu.memory_space<vmem>>, vector<1x1x16xf32>,
        %get3A_202 = vector.shape_cast %get3A_201 : vector<1x1x16xf32> to vector<16xf32>
        %mul3A_203 = arith.mulf %get3A_202, %get3A_193 : vector<16xf32>
        %add3A_204 = arith.addf %scan3A_186, %mul3A_203 : vector<16xf32>
        %mul3A_205 = arith.constant 16 : i32
        %mul3A_206 = arith.muli %scan3A_185, %mul3A_205 : i32
        %get3A_207 = arith.constant 1 : i32
        %get3A_208 = arith.constant 1 : i32
        %get3A_209 = arith.index_cast %get3A_207 : i32 to index
        %get3A_210 = arith.index_cast %get3A_208 : i32 to index
        %get3A_211 = arith.index_cast %mul3A_206 : i32 to index
        %get3A_212 = tpu.vector_load %arg6[%get3A_209, %get3A_210, %get3A_211] {strides = array<i32>} : memref<2x4x8192xf32, #tpu.memory_space<vmem>>, vector<1x1x16xf32>,
        %get3A_213 = vector.shape_cast %get3A_212 : vector<1x1x16xf32> to vector<16xf32>
        %mul3A_214 = arith.mulf %get3A_213, %get3A_193 : vector<16xf32>
        %add3A_215 = arith.addf %scan3A_187, %mul3A_214 : vector<16xf32>
        %mul3A_216 = arith.constant 16 : i32
        %mul3A_217 = arith.muli %scan3A_185, %mul3A_216 : i32
        %get3A_218 = arith.constant 1 : i32
        %get3A_219 = arith.constant 2 : i32
        %get3A_220 = arith.index_cast %get3A_218 : i32 to index
        %get3A_221 = arith.index_cast %get3A_219 : i32 to index
        %get3A_222 = arith.index_cast %mul3A_217 : i32 to index
        %get3A_223 = tpu.vector_load %arg6[%get3A_220, %get3A_221, %get3A_222] {strides = array<i32>} : memref<2x4x8192xf32, #tpu.memory_space<vmem>>, vector<1x1x16xf32>,
        %get3A_224 = vector.shape_cast %get3A_223 : vector<1x1x16xf32> to vector<16xf32>
        %mul3A_225 = arith.mulf %get3A_224, %get3A_193 : vector<16xf32>
        %add3A_226 = arith.addf %scan3A_188, %mul3A_225 : vector<16xf32>
        %mul3A_227 = arith.constant 16 : i32
        %mul3A_228 = arith.muli %scan3A_185, %mul3A_227 : i32
        %get3A_229 = arith.constant 1 : i32
        %get3A_230 = arith.constant 3 : i32
        %get3A_231 = arith.index_cast %get3A_229 : i32 to index
        %get3A_232 = arith.index_cast %get3A_230 : i32 to index
        %get3A_233 = arith.index_cast %mul3A_228 : i32 to index
        %get3A_234 = tpu.vector_load %arg6[%get3A_231, %get3A_232, %get3A_233] {strides = array<i32>} : memref<2x4x8192xf32, #tpu.memory_space<vmem>>, vector<1x1x16xf32>,
        %get3A_235 = vector.shape_cast %get3A_234 : vector<1x1x16xf32> to vector<16xf32>
        %mul3A_236 = arith.mulf %get3A_235, %get3A_193 : vector<16xf32>
        %add3A_237 = arith.addf %scan3A_189, %mul3A_236 : vector<16xf32>
        %scan3A_238 = arith.constant 1 : i32
        %scan3A_239 = arith.addi %scan3A_185, %scan3A_238 : i32
        %mul3A_240 = arith.constant 16 : i32
        %mul3A_241 = arith.muli %scan3A_239, %mul3A_240 : i32
        %get3A_242 = arith.index_cast %mul3A_241 : i32 to index
        %get3A_243 = tpu.vector_load %arg5[%get3A_242] {strides = array<i32>} : memref<8192xf32, #tpu.memory_space<vmem>>, vector<16xf32>,
        %get3A_244 = vector.shape_cast %get3A_243 : vector<16xf32> to vector<16xf32>
        %mul3A_245 = arith.constant 16 : i32
        %mul3A_246 = arith.muli %scan3A_239, %mul3A_245 : i32
        %get3A_247 = arith.constant 1 : i32
        %get3A_248 = arith.constant 0 : i32
        %get3A_249 = arith.index_cast %get3A_247 : i32 to index
        %get3A_250 = arith.index_cast %get3A_248 : i32 to index
        %get3A_251 = arith.index_cast %mul3A_246 : i32 to index
        %get3A_252 = tpu.vector_load %arg6[%get3A_249, %get3A_250, %get3A_251] {strides = array<i32>} : memref<2x4x8192xf32, #tpu.memory_space<vmem>>, vector<1x1x16xf32>,
        %get3A_253 = vector.shape_cast %get3A_252 : vector<1x1x16xf32> to vector<16xf32>
        %mul3A_254 = arith.mulf %get3A_253, %get3A_244 : vector<16xf32>
        %add3A_255 = arith.addf %add3A_204, %mul3A_254 : vector<16xf32>
        %mul3A_256 = arith.constant 16 : i32
        %mul3A_257 = arith.muli %scan3A_239, %mul3A_256 : i32
        %get3A_258 = arith.constant 1 : i32
        %get3A_259 = arith.constant 1 : i32
        %get3A_260 = arith.index_cast %get3A_258 : i32 to index
        %get3A_261 = arith.index_cast %get3A_259 : i32 to index
        %get3A_262 = arith.index_cast %mul3A_257 : i32 to index
        %get3A_263 = tpu.vector_load %arg6[%get3A_260, %get3A_261, %get3A_262] {strides = array<i32>} : memref<2x4x8192xf32, #tpu.memory_space<vmem>>, vector<1x1x16xf32>,
        %get3A_264 = vector.shape_cast %get3A_263 : vector<1x1x16xf32> to vector<16xf32>
        %mul3A_265 = arith.mulf %get3A_264, %get3A_244 : vector<16xf32>
        %add3A_266 = arith.addf %add3A_215, %mul3A_265 : vector<16xf32>
        %mul3A_267 = arith.constant 16 : i32
        %mul3A_268 = arith.muli %scan3A_239, %mul3A_267 : i32
        %get3A_269 = arith.constant 1 : i32
        %get3A_270 = arith.constant 2 : i32
        %get3A_271 = arith.index_cast %get3A_269 : i32 to index
        %get3A_272 = arith.index_cast %get3A_270 : i32 to index
        %get3A_273 = arith.index_cast %mul3A_268 : i32 to index
        %get3A_274 = tpu.vector_load %arg6[%get3A_271, %get3A_272, %get3A_273] {strides = array<i32>} : memref<2x4x8192xf32, #tpu.memory_space<vmem>>, vector<1x1x16xf32>,
        %get3A_275 = vector.shape_cast %get3A_274 : vector<1x1x16xf32> to vector<16xf32>
        %mul3A_276 = arith.mulf %get3A_275, %get3A_244 : vector<16xf32>
        %add3A_277 = arith.addf %add3A_226, %mul3A_276 : vector<16xf32>
        %mul3A_278 = arith.constant 16 : i32
        %mul3A_279 = arith.muli %scan3A_239, %mul3A_278 : i32
        %get3A_280 = arith.constant 1 : i32
        %get3A_281 = arith.constant 3 : i32
        %get3A_282 = arith.index_cast %get3A_280 : i32 to index
        %get3A_283 = arith.index_cast %get3A_281 : i32 to index
        %get3A_284 = arith.index_cast %mul3A_279 : i32 to index
        %get3A_285 = tpu.vector_load %arg6[%get3A_282, %get3A_283, %get3A_284] {strides = array<i32>} : memref<2x4x8192xf32, #tpu.memory_space<vmem>>, vector<1x1x16xf32>,
        %get3A_286 = vector.shape_cast %get3A_285 : vector<1x1x16xf32> to vector<16xf32>
        %mul3A_287 = arith.mulf %get3A_286, %get3A_244 : vector<16xf32>
        %add3A_288 = arith.addf %add3A_237, %mul3A_287 : vector<16xf32>
        scf.yield %add3A_255, %add3A_266, %add3A_277, %add3A_288 : vector<16xf32>, vector<16xf32>, vector<16xf32>, vector<16xf32>
      }
      %scan3A_144 = arith.constant 512 : i32
      %mul3A_145 = arith.constant 4 : i32
      %mul3A_146 = arith.muli %add3A_107, %mul3A_145 : i32
      %add3A_147 = arith.constant 0 : i32
      %add3A_148 = arith.addi %mul3A_146, %add3A_147 : i32
      %mul3A_149 = arith.constant 16 : i32
      %mul3A_150 = arith.muli %add3A_148, %mul3A_149 : i32
      %swap3A_151 = arith.index_cast %mul3A_150 : i32 to index
      %swap3A_152 = tpu.vector_load %arg7[%swap3A_151] {strides = array<i32>} : memref<1024xf32, #tpu.memory_space<vmem>>, vector<16xf32>,
      %swap3A_153 = vector.shape_cast %swap3A_152 : vector<16xf32> to vector<16xf32>
      %swap3A_154 = vector.shape_cast %scan3A_143#0 : vector<16xf32> to vector<16xf32>
      tpu.vector_store %arg7[%swap3A_151], %swap3A_154 {strides = array<i32>} : memref<1024xf32, #tpu.memory_space<vmem>>, vector<16xf32>,
      %mul3A_155 = arith.constant 4 : i32
      %mul3A_156 = arith.muli %add3A_107, %mul3A_155 : i32
      %add3A_157 = arith.constant 1 : i32
      %add3A_158 = arith.addi %mul3A_156, %add3A_157 : i32
      %mul3A_159 = arith.constant 16 : i32
      %mul3A_160 = arith.muli %add3A_158, %mul3A_159 : i32
      %swap3A_161 = arith.index_cast %mul3A_160 : i32 to index
      %swap3A_162 = tpu.vector_load %arg7[%swap3A_161] {strides = array<i32>} : memref<1024xf32, #tpu.memory_space<vmem>>, vector<16xf32>,
      %swap3A_163 = vector.shape_cast %swap3A_162 : vector<16xf32> to vector<16xf32>
      %swap3A_164 = vector.shape_cast %scan3A_143#1 : vector<16xf32> to vector<16xf32>
      tpu.vector_store %arg7[%swap3A_161], %swap3A_164 {strides = array<i32>} : memref<1024xf32, #tpu.memory_space<vmem>>, vector<16xf32>,
      %mul3A_165 = arith.constant 4 : i32
      %mul3A_166 = arith.muli %add3A_107, %mul3A_165 : i32
      %add3A_167 = arith.constant 2 : i32
      %add3A_168 = arith.addi %mul3A_166, %add3A_167 : i32
      %mul3A_169 = arith.constant 16 : i32
      %mul3A_170 = arith.muli %add3A_168, %mul3A_169 : i32
      %swap3A_171 = arith.index_cast %mul3A_170 : i32 to index
      %swap3A_172 = tpu.vector_load %arg7[%swap3A_171] {strides = array<i32>} : memref<1024xf32, #tpu.memory_space<vmem>>, vector<16xf32>,
      %swap3A_173 = vector.shape_cast %swap3A_172 : vector<16xf32> to vector<16xf32>
      %swap3A_174 = vector.shape_cast %scan3A_143#2 : vector<16xf32> to vector<16xf32>
      tpu.vector_store %arg7[%swap3A_171], %swap3A_174 {strides = array<i32>} : memref<1024xf32, #tpu.memory_space<vmem>>, vector<16xf32>,
      %mul3A_175 = arith.constant 4 : i32
      %mul3A_176 = arith.muli %add3A_107, %mul3A_175 : i32
      %add3A_177 = arith.constant 3 : i32
      %add3A_178 = arith.addi %mul3A_176, %add3A_177 : i32
      %mul3A_179 = arith.constant 16 : i32
      %mul3A_180 = arith.muli %add3A_178, %mul3A_179 : i32
      %swap3A_181 = arith.index_cast %mul3A_180 : i32 to index
      %swap3A_182 = tpu.vector_load %arg7[%swap3A_181] {strides = array<i32>} : memref<1024xf32, #tpu.memory_space<vmem>>, vector<16xf32>,
      %swap3A_183 = vector.shape_cast %swap3A_182 : vector<16xf32> to vector<16xf32>
      %swap3A_184 = vector.shape_cast %scan3A_143#3 : vector<16xf32> to vector<16xf32>
      tpu.vector_store %arg7[%swap3A_181], %swap3A_184 {strides = array<i32>} : memref<1024xf32, #tpu.memory_space<vmem>>, vector<16xf32>,
    }
    %scan3A_23 = arith.constant 8 : i32
    %mul3A_24 = arith.constant 64 : i32
    %mul3A_25 = arith.muli %add3A, %mul3A_24 : i32
    %mul3A_26 = arith.constant 16 : i32
    %mul3A_27 = arith.muli %mul3A_25, %mul3A_26 : i32
    "tpu.region"() ({
      %run_scoped3A = tpu.sem_alloc : memref<!tpu.dma_semaphore, #tpu.memory_space<semaphore_mem>>
      %dma_start3A_28 = tpu.memref_slice %arg4[%mul3A_27] : memref<32768xf32, #tpu.memory_space<hbm>> -> memref<1024xf32, #tpu.memory_space<hbm>>
      %dma_start3A_29 = tpu.memref_slice %arg4[%mul3A_27] : memref<32768xf32, #tpu.memory_space<hbm>> -> memref<1024xf32, #tpu.memory_space<hbm>>
      tpu.enqueue_dma source(%arg7 : memref<1024xf32, #tpu.memory_space<vmem>>) target(%dma_start3A_29 : memref<1024xf32, #tpu.memory_space<hbm>>) target_semaphore(%run_scoped3A : memref<!tpu.dma_semaphore, #tpu.memory_space<semaphore_mem>>)
      %dma_wait3A = tpu.memref_slice %arg4[%mul3A_27] : memref<32768xf32, #tpu.memory_space<hbm>> -> memref<1024xf32, #tpu.memory_space<hbm>>
      %dma_wait3A_30 = tpu.memref_slice %arg4[%mul3A_27] : memref<32768xf32, #tpu.memory_space<hbm>> -> memref<1024xf32, #tpu.memory_space<hbm>>
      tpu.wait_dma2 semaphore(%run_scoped3A : memref<!tpu.dma_semaphore, #tpu.memory_space<semaphore_mem>>) src(%arg7 : memref<1024xf32, #tpu.memory_space<vmem>>) dst(%dma_wait3A_30 : memref<1024xf32, #tpu.memory_space<hbm>>)
      tpu.yield
    }) : () -> ()
    return
  }
}

module attributes {stable_mosaic.version = 14 : i64} {
  func.func @_tc_body(%arg0: i32, %arg1: memref<256x8192xf32, #tpu.memory_space<vmem>>, %arg2: memref<1x8192xf32, #tpu.memory_space<vmem>>, %arg3: memref<256xf32, #tpu.memory_space<vmem>>) attributes {dimension_semantics = [#tpu.dimension_semantics<parallel>], iteration_bounds = array<i64: 24>, scalar_prefetch = 0 : i64, scratch_operands = 0 : i64, tpu.core_type = #tpu.core_type<tc>, window_params = [{transform_indices = @transform_0, window_bounds = array<i64: 256, 8192>}, {pipeline_mode = #tpu.pipeline_mode<synchronous>, transform_indices = @transform_1, window_bounds = array<i64: 1, 8192>}, {transform_indices = @transform_2, window_bounds = array<i64: 256>}]} {
    %get3A = arith.constant 0 : index
    %get3A_0 = arith.constant 0 : index
    %get3A_1 = vector.load %arg1[%get3A, %get3A_0] : memref<256x8192xf32, #tpu.memory_space<vmem>>, vector<256x8192xf32>
    %get3A_2 = arith.constant 0 : index
    %get3A_3 = arith.constant 0 : index
    %get3A_4 = vector.load %arg2[%get3A_2, %get3A_3] : memref<1x8192xf32, #tpu.memory_space<vmem>>, vector<1x8192xf32>
    %mul3A = vector.broadcast %get3A_4 : vector<1x8192xf32> to vector<256x8192xf32>
    %mul3A_5 = arith.mulf %get3A_1, %mul3A : vector<256x8192xf32>
    %reduce_sum3A = arith.constant dense<0.000000e+00> : vector<256xf32>
    %reduce_sum3A_6 = vector.multi_reduction <add>, %mul3A_5, %reduce_sum3A [1] : vector<256x8192xf32> to vector<256xf32>
    %swap3A = arith.constant 0 : index
    %swap3A_7 = vector.load %arg3[%swap3A] : memref<256xf32, #tpu.memory_space<vmem>>, vector<256xf32>
    tpu.vector_store %arg3[%swap3A], %reduce_sum3A_6 {strides = array<i32>} : memref<256xf32, #tpu.memory_space<vmem>>, vector<256xf32>,
    return
  }
  func.func @transform_0(%arg0: i32) -> (i32, i32) {
    %c0_i32 = arith.constant 0 : i32
    %c0_i32_0 = arith.constant 0 : i32
    return %arg0, %c0_i32 : i32, i32
  }
  func.func @transform_1(%arg0: i32) -> (i32, i32) {
    %c0_i32 = arith.constant 0 : i32
    %c0_i32_0 = arith.constant 0 : i32
    %c0_i32_1 = arith.constant 0 : i32
    return %c0_i32, %c0_i32_0 : i32, i32
  }
  func.func @transform_2(%arg0: i32) -> i32 {
    %c0_i32 = arith.constant 0 : i32
    return %arg0 : i32
  }
}

</mosaic_0001>

<sc_bundles>
// kernel: kernel.4.cloned.1.call-start
scs
__scs_entry_jumppad:
0x0: {  	(pc) =	sbr.rel $0x88, $3  }
0x1: {  	(tag) =	ssettag $0x0;
	lr =	simm.s32 $0x1  }
0x2: {  	[smem:$0x3F9F] =	sst lr;
	_ =	strace $0xD0000000  }
0x3: {  	_ = 	snop  }
0x4: {  	_ = 	snop  }
0x5: {  	_ = 	snop  }
0x6: {  	_ = 	snop  }
0x7: {  	_ = 	snop  }
__scs_overlays_trampoline_lowered:
0x8: {  	[smem:$0x3FAE] =	sst s0  }
0x9: {  	[smem:$0x3FAF] =	sst s1  }
0xa: {  	[smem:$0x3FB0] =	sst s2  }
0xb: {  	[smem:$0x3FB1] =	sst s3  }
0xc: {  	[smem:$0x3FB2] =	sst s4  }
0xd: {  	[smem:$0x3FB3] =	sst s5  }
0xe: {  	[smem:$0x3FB4] =	sst s6  }
0xf: {  	[smem:$0x3FB5] =	sst s7  }
0x10: {  	[smem:$0x3FB6] =	sst s8  }
0x11: {  	[smem:$0x3FB7] =	sst s9;
	s0 =	simm.s32 @!p0 $0x0  }
0x12: {  	s1 =	sld [smem:$0x3F9D];
	s0 =	simm.s32 @p0 $0x1  }
0x13: {  	[smem:$0x3FB8] =	sst s0;
	s0 =	simm.s32 @!p1 $0x0  }
0x14: {  	s2 =	sld [smem:$0x3F9C];
	s0 =	simm.s32 @p1 $0x1  }
0x15: {  	[smem:$0x3FB9] =	sst s0;
	s0 =	simm.s32 @!p2 $0x0  }
0x16: {  	s3 =	sld [smem:$0x3FDB];
	s0 =	simm.s32 @p2 $0x1  }
0x17: {  	s4 =	simm.s32 $0x1BF5;
	[smem:$0x3FBB] =	sst s0  }
0x18: {  	s0 =	sld [smem:$0x3F9E];
	_ =	swait.ge [sflag:s4], $0x0  }
0x19: {  	s7 =	sld [smem:$0x3F9F]  }
0x1a: {  	s8 =	sadd.s32 $0xFFFFE003, lr  }
0x1b: {  	s9 =	sadd.s32 $0xFFFFFEF7, lr;
	s5 =	simm.s32 $0xFFFFFFFF;
	p2 =	slt.u32 s8, $0xFFFFF086  }
0x1c: {  	p1 =	slt.u32 s9, $0xF7A;
	s5 =	simm.s32 @!p2 $0x0  }
0x1d: {  	s5 =	simm.s32 @p1 $0x1;
	p0 =	seq.s32 s7, s2  }
0x1e: {  	s7 =	smul.u32 @!p0 $0xF7A, s2;
	p2 =	seq.s32 @!p0 s5, $0x0  }
0x1f: {  	s9 =	smul.u32 $0xF7A, s1;
	s8 =	simm.s32 @!p0 $0x1BF5;
	p2 =	por !p2, p0  }
0x20: {  	[sflag:s8] =	ssyncset.s32 @!p0 $0xFFFFF086;
	s6 =	sadd.s32 @!p0 s3, s7;
	s7 =	simm.s32 @!p0 $0x108  }
0x21: {  	s3 =	sadd.s32 s3, s9;
	s6 =	sadd.s32 @!p0 $0x88, s6;
	s7 =	simm.s32 @p2 $0x1082  }
0x22: {  	[simem:s7], [sflag:s8] =	dma.local @!p0 [hbm:s6], $0xF7A  }
0x23: {  	s9 =	sor.u32 $0xD0000000, s2;
	s6 =	simm.s32 $0x108;
	_ =	swait.ge @!p0 [sflag:s8], $0x0  }
0x24: {  	s3 =	sadd.s32 $0x88, s3;
	s6 =	simm.s32 @!p1 $0x1082;
	[sflag:s4] =	ssyncset.s32 $0xFFFFF086  }
0x25: {  	[simem:s6], [sflag:s4] =	dma.local [hbm:s3], $0xF7A  }
0x26: {  	[smem:$0x3F9F] =	sst s1;
	(tag) =	ssettag s2;
	_ =	strace s9  }
0x27: {  	s1 =	sld [smem:$0x3FAF]  }
0x28: {  	s2 =	sld [smem:$0x3FB0]  }
0x29: {  	s4 =	sld [smem:$0x3FB2]  }
0x2a: {  	p0 =	seq.s32 s5, $0x0;
	s5 =	sld [smem:$0x3FB3]  }
0x2b: {  	s6 =	sld [smem:$0x3FB4]  }
0x2c: {  	s7 =	sld [smem:$0x3FB5]  }
0x2d: {  	s3 =	simm.s32 $0x108;
	s8 =	sld [smem:$0x3FB6]  }
0x2e: {  	s3 =	simm.s32 @!p0 $0x1082;
	s9 =	sld [smem:$0x3FB7]  }
0x2f: {  	lr =	sadd.s32 s0, s3;
	s0 =	sld [smem:$0x3FAE]  }
0x30: {  	s3 =	sld [smem:$0x3FB1]  }
0x31: {  	[smem:$0x3FBA] =	sst s10  }
0x32: {  	s10 =	sld [smem:$0x3FB8];
	_ =	sdelay $0x3  }
0x33: {  	p0 =	seq.s32 s10, $0x1;
	s10 =	sld [smem:$0x3FBA];
	_ =	sdelay $0x3  }
0x34: {  	[smem:$0x3FBA] =	sst s10  }
0x35: {  	s10 =	sld [smem:$0x3FB9];
	_ =	sdelay $0x3  }
0x36: {  	p1 =	seq.s32 s10, $0x1;
	s10 =	sld [smem:$0x3FBA];
	_ =	sdelay $0x3  }
0x37: {  	[smem:$0x3FBA] =	sst s10  }
0x38: {  	s10 =	sld [smem:$0x3FBB]  }
0x39: {  	_ = 	snop;
	(pc) =	sbr.ind lr, $3  }
0x3a: {  	_ = 	snop  }
0x3b: {  	_ = 	snop  }
0x3c: {  	p2 =	seq.s32 s10, $0x1;
	s10 =	sld [smem:$0x3FBA]  }
0x3d: {  	_ =	shalt  }
0x3e: {  	_ =	shalt  }
0x3f: {  	_ =	shalt  }
0x40: {  	_ =	shalt  }
0x41: {  	_ =	shalt  }
0x42: {  	_ =	shalt  }
0x43: {  	_ =	shalt  }
0x44: {  	_ =	shalt  }
0x45: {  	_ =	shalt  }
0x46: {  	_ =	shalt  }
0x47: {  	_ =	shalt  }
0x48: {  	_ =	shalt  }
0x49: {  	_ =	shalt  }
0x4a: {  	_ =	shalt  }
0x4b: {  	_ =	shalt  }
0x4c: {  	_ =	shalt  }
0x4d: {  	_ =	shalt  }
0x4e: {  	_ =	shalt  }
0x4f: {  	_ =	shalt  }
0x50: {  	_ =	shalt  }
0x51: {  	_ =	shalt  }
0x52: {  	_ =	shalt  }
0x53: {  	_ =	shalt  }
0x54: {  	_ =	shalt  }
0x55: {  	_ =	shalt  }
0x56: {  	_ =	shalt  }
0x57: {  	_ =	shalt  }
0x58: {  	_ =	shalt  }
0x59: {  	_ =	shalt  }
0x5a: {  	_ =	shalt  }
0x5b: {  	_ =	shalt  }
0x5c: {  	_ =	shalt  }
0x5d: {  	_ =	shalt  }
0x5e: {  	_ =	shalt  }
0x5f: {  	_ =	shalt  }
0x60: {  	_ =	shalt  }
0x61: {  	_ =	shalt  }
0x62: {  	_ =	shalt  }
0x63: {  	_ =	shalt  }
0x64: {  	_ =	shalt  }
0x65: {  	_ =	shalt  }
0x66: {  	_ =	shalt  }
0x67: {  	_ =	shalt  }
0x68: {  	_ =	shalt  }
0x69: {  	_ =	shalt  }
0x6a: {  	_ =	shalt  }
0x6b: {  	_ =	shalt  }
0x6c: {  	_ =	shalt  }
0x6d: {  	_ =	shalt  }
0x6e: {  	_ =	shalt  }
0x6f: {  	_ =	shalt  }
0x70: {  	_ =	shalt  }
0x71: {  	_ =	shalt  }
0x72: {  	_ =	shalt  }
0x73: {  	_ =	shalt  }
0x74: {  	_ =	shalt  }
0x75: {  	_ =	shalt  }
0x76: {  	_ =	shalt  }
0x77: {  	_ =	shalt  }
0x78: {  	_ =	shalt  }
0x79: {  	_ =	shalt  }
0x7a: {  	_ =	shalt  }
0x7b: {  	_ =	shalt  }
0x7c: {  	_ =	shalt  }
0x7d: {  	_ =	shalt  }
0x7e: {  	_ =	shalt  }
0x7f: {  	_ =	shalt  }
0x80: {  	_ =	shalt  }
0x81: {  	_ =	shalt  }
0x82: {  	_ =	shalt  }
0x83: {  	_ =	shalt  }
0x84: {  	_ =	shalt  }
0x85: {  	_ =	shalt  }
0x86: {  	_ =	shalt  }
0x87: {  	_ =	shalt  }
.Lfunc_end0:
.L_simem_size_0:
called_computation_lowered:
.L_overlay_start_0:
0x88: {  	s2 =	sld [smem:$0x3FD9]  }
0x89: {  	s3 =	sld [smem:$0x3FFE];
	_ =	sdelay $0x1  }
0x8a: {  	s1 =	srdreg.scid  }
0x8b: {  	s0 =	sand.u32 $0x1, s1  }
0x8c: {  	s17 =	sshll.u32 s0, $0xA;
	s2 =	sadd.s32 s3, s2  }
0x8d: {  	s2 =	sadd.s32 s2, s17  }
0x8e: {  	[smem:$0x3FC6] =	sst s2  }
0x8f: {  	_ = 	snop  }
0x90: {  	s2 =	sld [smem:$0x3FC9]  }
0x91: {  	s18 =	sld [smem:$0x3FC8];
	(tm) =	ssettm $0x1  }
0x92: {  	s4 =	sld [smem:$0x3FFB];
	_ =	sdelay $0x3  }
0x93: {  	_ =	strace s4  }
0x94: {  	s4 =	sld [smem:$0x3FFC];
	_ =	sdelay $0x3  }
0x95: {  	_ =	strace s4  }
0x96: {  	s4 =	sld [smem:$0x3FFD];
	_ =	sdelay $0x3  }
0x97: {  	_ =	strace s4  }
0x98: {  	_ =	strace $0x8FFFFFFF  }
0x99: {  	s19 =	sld [smem:$0x3FDB];
	_ =	sdelay $0x1  }
0x9a: {  	s5 =	simm.s32 $_scs_section_size  }
0x9b: {  	s6 =	simm.s32 $_size__tile_overlayer_lowered;
	s7 =	simm.s32 $_tile_overlayer_lowered  }
0x9c: {  	s22 =	simm.s32 $0x1BFF;
	s21 =	sshll.u32 s7, $0x1;
	s4 =	sadd.s32 s5, s19  }
0x9d: {  	s8 =	simm.s32 $0x0;
	s20 =	sshll.u32 s6, $0x1;
	s6 =	sadd.s32 s21, s4  }
0x9e: {  	[timem:s8], [sflag:s22] =	dma.local [hbm:s6], s20  }
0x9f: {  	_ =	swait.ge [sflag:s22], s20  }
0xa0: {  	s5 =	ssub.s32 $0x0, s20;
	[sflag:s22] =	ssyncset.done $0x0  }
0xa1: {  	[sflag:s22] =	ssyncadd.s32 s5;
	_ =	sdelay $0x1  }
0xa2: {  	s23 =	simm.s32 $0x1B8B  }
0xa3: {  	_ =	swait.ge [sflag:s23], $0x1  }
0xa4: {  	[sflag:s23] =	ssyncset.done $0x0  }
0xa5: {  	s25 =	simm.s32 $0x1B8E;
	s24 =	sld [smem:$0x3FFE];
	[sflag:s23] =	ssyncadd.s32 $0xFFFFFFFF  }
0xa6: {  	s26 =	simm.s32 $execute0_lowered;
	[smem:$0x3FD2] =	sst s25  }
0xa7: {  	s6 =	sshll.u32 s26, $0x1;
	_ =	strace $0x80000046;
	[dreg:$0x1] =	wrdreg $0xFFFFFFFF  }
0xa8: {  	s28 =	simm.s32 $_size_execute0_lowered;
	s4 =	sadd.s32 s4, s6;
	[dreg:$0x0] =	wrdreg $0x0  }
0xa9: {  	s6 =	sshll.u32 s28, $0x1;
	[dreg:$0x2] =	wrdreg s4  }
0xaa: {  	[dreg:$0x3] =	wrdreg s6  }
0xab: {  	[dreg:$0x4] =	wrdreg $0xC0  }
0xac: {  	_ =	task [dreg:s8], $0x5FFFF  }
0xad: {  	[dreg:$0x1] =	wrdreg $0xFFFFFFFF  }
0xae: {  	[dreg:$0x0] =	wrdreg $0x60  }
0xaf: {  	[dreg:$0x2] =	wrdreg s2  }
0xb0: {  	[dreg:$0x3] =	wrdreg s18  }
0xb1: {  	[dreg:$0x4] =	wrdreg s24  }
0xb2: {  	[dreg:$0x5] =	wrdreg $0x9  }
0xb3: {  	_ =	task.clear_ibuf [dreg:s8], $0x6FFFF;
	_ =	strace $0x90000046  }
0xb4: {  	s29 =	simm.s32 $0x9;
	_ =	strace $0x80000048  }
0xb5: {  	_ =	swait.ge [sflag:s29], $0x1  }
0xb6: {  	[sflag:s29] =	ssyncadd.s32 $0xFFFFFFFF  }
0xb7: {  	_ =	strace $0x90000048  }
0xb8: {  	_ =	sfence  }
0xb9: {  	s30 =	sld [smem:$0x0];
	_ =	sdelay $0x2  }
0xba: {  	s31 =	sshll.u32 s1, $0xD;
	s1 =	sshrl.u32 s1, $0x2  }
0xbb: {  	s3 =	sand.u32 $0x4000, s31;
	s1 =	sadd.s32 s1, s30  }
0xbc: {  	s0 =	sor.u32 s3, s0;
	s1 =	sshll.u32 s1, $0x11  }
0xbd: {  	s0 =	sor.u32 s1, s0  }
0xbe: {  	s0 =	sadd.s32 $0x8F2B, s0  }
0xbf: {  	[sflag:s0] =	ssyncadd.remote.s32 $0x1  }
0xc0: {  	_ =	sfence.sel $0xFFFF  }
0xc1: {  	[dreg:$0x0] =	wrdreg $0xFFFFFFFF;
	(pc) =	sbr.abs _section_cstart, $3  }
0xc2: {  	[dreg:$0x1] =	wrdreg $0xFFFFFFFF  }
0xc3: {  	_ =	task.clear_ibuf [dreg:s8], $0x2FFFF;
	_ =	strace $0x9FFFFFFF  }
0xc4: {  	(tm) =	ssettm $0x7FFFFFFF  }
0xc5: {  	_ =	shalt  }
tec
execute0_lowered:
.L_overlay_start_1:
0x0: {  	(tag) =	ssettag $0x1  }
0x1: {  	s6 =	rddreg [dreg:$0x0]  }
0x2: {  	s1 =	rddreg [dreg:$0x1]  }
0x3: {  	s4 =	rddreg [dreg:$0x2]  }
0x4: {  	s0 =	rddreg [dreg:$0x3];
	s3 =	simm.s32 $0x0;
	s5 =	srdreg.scid  }
0x5: {  	s2 =	stileid.u32;
	s10 =	simm.s32 $0x3;
	s11 =	simm.s32 $0x200  }
0x6: {  	s12 =	simm.s32 $0x400;
	s13 =	simm.s32 $0x2000;
	s14 =	simm.s32 $0xA000  }
0x7: {  	s15 =	simm.s32 $0x1;
	s16 =	simm.s32 $0x2;
	s17 =	simm.s32 $0x12000  }
0x8: {  	[smem:$0x7FF] =	sst s3;
	s5 =	sand.u32 $0x1, s5;
	s7 =	sshll.u32 s2, $0x1  }
0x9: {  	s18 =	simm.s32 $0x0;
	_ =	strace $0x80000047;
	s7 =	sor.u32 s5, s7  }
0xa: {  	s5 =	ssub.s32 $0x2, s5;
	s8 =	sshll.u32 s7, $0x7;
	s7 =	sshll.u32 s7, $0x10  }
0xb: {  	s9 =	sshrl.u32 s5, $0x1;
	s8 =	sadd.s32 s8, s4;
	s4 =	sor.u32 $0x600000, s7  }
0xc: {  	s9 =	ssub.s32 s5, s9;
	s5 =	sadd.s32 s6, s4;
	s6 =	sadd.s32 $0x40, s6  }
0xd: {  	s8 =	sadd.s32 $0x200, s8;
	s9 =	smax.u32 s9, $0x1;
	s7 =	sadd.s32 $0x2000, s5  }
.LBB2_1:
0xe: {  	[tilespmem:s3], [sflag:$0x3] =	stream.linear.gather [hbm4b:s1+s3], $0x2000, $0x38;
	[tilespmem:$0x12400] =	vst v63  }
0xf: {  	_ =	swait.ge [sflag:s10], $0x2000  }
0x10: {  	[sflag:s10] =	ssyncset.done $0x0  }
0x11: {  	s19 =	simm.s32 $0x0;
	[sflag:s10] =	ssyncadd.s32 $0xFFFFE000  }
0x12: {  	[tilespmem:s13], [sflag:$0x1] =	stream.strided.gather [hbm4b:s5+s11], $0x8000, s12, s11, $0x38;
	[tilespmem:$0x12400] =	vst v63  }
.LBB2_2:
0x13: {  	s21 =	sshll.u32 s19, $0xD  }
0x14: {  	s20 =	sor.u32 s21, s4  }
0x15: {  	s20 =	sadd.s32 s20, s6  }
0x16: {  	[tilespmem:s14], [sflag:$0x2] =	stream.strided.gather [hbm4b:s20+s11], $0x8000, s12, s11, $0x38;
	[tilespmem:$0x12400] =	vst v63  }
0x17: {  	s24 =	simm.s32 $0x0;
	s20 =	simm.s32 $0x0;
	_ =	swait.ge [sflag:s15], $0x8000  }
0x18: {  	s22 =	sand.u32 $0x60, s20;
	s23 =	sand.u32 $0x1F80, s20;
	[sflag:s15] =	ssyncset.done $0x0  }
0x19: {  	s25 =	sand.u32 $0x7E00, s20;
	s26 =	sor.u32 $0x10, s22;
	[sflag:s15] =	ssyncadd.s32 $0xFFFF8000  }
0x1a: {  	s28 =	sadd.s32 $0x2000, s25;
	s23 =	sor.u32 s26, s23;
	v2 =	vld [tilespmem:s24+$0x0]  }
0x1b: {  	v0 =	vld [tilespmem:s23+$0x0];
	s23 =	sor.u32 s26, s28  }
0x1c: {  	v1 =	vld [tilespmem:s23+$0x0]  }
0x1d: {  	s29 =	sand.u32 $0x3, s20;
	s24 =	sor.u32 s22, s28;
	v3 =	vld [tilespmem:s23+$0x80]  }
0x1e: {  	s30 =	sshll.u32 s29, $0x5;
	v7 =	vld [tilespmem:s24+$0x0]  }
0x1f: {  	s25 =	sadd.s32 $0x0, s30;
	v9 =	vld [tilespmem:s24+$0x80]  }
0x20: {  	v4 =	vimm.f32 $0.0e+00;
	s22 =	simm.s32 $0x0;
	s31 =	sor.u32 $0x180, s25;
	v10 =	vld [tilespmem:s24+$0x100]  }
0x21: {  	v8 =	vimm.f32 $0.0e+00;
	v6 =	vimm.f32 $0.0e+00;
	v5 =	vimm.f32 $0.0e+00;
	s26 =	sadd.s32 $0x10, s25;
	s25 =	simm.s32 $0x20;
	v11 =	vld [tilespmem:s31+$0x2000];
	s24 =	simm.s32 $0x80  }
.LBB2_3:
0x22: {  	s28 =	sand.u32 $0x60, s25;
	s29 =	sand.u32 $0x1F80, s25;
	v12 =	vld [tilespmem:s23+$0x100];
	s23 =	sor.u32 $0x180, s26  }
0x23: {  	s26 =	sshra.s32 s24, $0x2;
	s30 =	sand.u32 $0x7E00, s24;
	s31 =	sor.u32 $0x10, s28;
	v13 =	vld [tilespmem:s23+$0x2000]  }
0x24: {  	v15 =	vmul.f32 v1, v0;
	v16 =	vmul.f32 v3, v0;
	v14 =	vld [tilespmem:s26+$0x0];
	s26 =	sadd.s32 $0x2000, s30;
	s23 =	sor.u32 s31, s29  }
0x25: {  	s22 =	sadd.s32 $0x2, s22;
	v7 =	vmul.f32 v7, v2;
	v9 =	vmul.f32 v9, v2;
	v17 =	vld [tilespmem:s23+$0x0];
	s23 =	sor.u32 s31, s26  }
0x26: {  	s20 =	sadd.s32 $0x1, s20;
	p0 =	slt.u32 s22, $0x1FE;
	v10 =	vmul.f32 v10, v2;
	v1 =	vld [tilespmem:s23+$0x0];
	v18 =	vmul.f32 v11, v2  }
.Ltmp0:
0x27: {  	s29 =	sand.u32 $0x3, s20;
	s26 =	sor.u32 s28, s26;
	v4 =	vadd.f32 v7, v4;
	v8 =	vadd.f32 v9, v8;
	v3 =	vld [tilespmem:s23+$0x80];
	v11 =	vmul.f32 v12, v0;
	(pc) =	sbr.rel @p0 .LBB2_3-.Ltmp0, $4  }
0x28: {  	s28 =	sshll.u32 s29, $0x5;
	v6 =	vadd.f32 v10, v6;
	v7 =	vld [tilespmem:s26+$0x0];
	v5 =	vadd.f32 v18, v5;
	v12 =	vmul.f32 v13, v0  }
0x29: {  	s28 =	sadd.s32 s28, s24;
	v4 =	vadd.f32 v15, v4;
	v8 =	vadd.f32 v16, v8;
	v9 =	vld [tilespmem:s26+$0x80];
	v2 =	vmov v14  }
0x2a: {  	v6 =	vadd.f32 v11, v6;
	v10 =	vld [tilespmem:s26+$0x100];
	s26 =	sor.u32 $0x180, s28;
	v5 =	vadd.f32 v12, v5;
	v0 =	vmov v17  }
0x2b: {  	s25 =	sadd.s32 $0x20, s25;
	s24 =	sadd.s32 $0x80, s24;
	v11 =	vld [tilespmem:s26+$0x2000];
	s26 =	sadd.s32 $0x10, s28  }
0x2c: {  	v12 =	vld [tilespmem:s23+$0x100];
	s20 =	sor.u32 $0x180, s26  }
0x2d: {  	v13 =	vld [tilespmem:s20+$0x2000];
	v7 =	vmul.f32 v7, v2  }
0x2e: {  	v9 =	vmul.f32 v9, v2  }
0x2f: {  	v1 =	vmul.f32 v1, v0;
	v10 =	vmul.f32 v10, v2;
	v4 =	vadd.f32 v7, v4  }
0x30: {  	v3 =	vmul.f32 v3, v0;
	v2 =	vmul.f32 v11, v2;
	v7 =	vadd.f32 v9, v8  }
0x31: {  	s24 =	sshll.u32 s19, $0x7;
	v8 =	vmul.f32 v12, v0;
	v6 =	vadd.f32 v10, v6;
	v1 =	vadd.f32 v1, v4  }
0x32: {  	s20 =	sand.u32 $0x3FFFFF80, s24;
	v2 =	vadd.f32 v2, v5;
	v0 =	vmul.f32 v13, v0;
	v3 =	vadd.f32 v3, v7  }
0x33: {  	v4 =	vadd.f32 v8, v6;
	[tilespmem:s20+$0x12000] =	vst v1  }
0x34: {  	p0 =	seq.s32 s19, $0x7;
	v0 =	vadd.f32 v0, v2;
	[tilespmem:s20+$0x12010] =	vst v3  }
0x35: {  	s21 =	sadd.s32 @!p0 s21, s7;
	[tilespmem:s20+$0x12020] =	vst v4  }
0x36: {  	s22 =	simm.s32 @!p0 $0x200;
	s23 =	simm.s32 @!p0 $0x400;
	s24 =	simm.s32 @!p0 $0x2000;
	[tilespmem:s20+$0x12030] =	vst v0  }
0x37: {  	[tilespmem:s24], [sflag:$0x1] =	stream.strided.gather @!p0 [hbm4b:s21+s22], $0x8000, s23, s22, $0x38;
	[tilespmem:$0x12400] =	vst v63  }
0x38: {  	s25 =	simm.s32 $0x0;
	s28 =	simm.s32 $0x0;
	_ =	swait.ge [sflag:s16], $0x8000  }
0x39: {  	s26 =	sand.u32 $0x1F80, s25;
	s23 =	sand.u32 $0x60, s25;
	[sflag:s16] =	ssyncset.done $0x0  }
0x3a: {  	s25 =	sand.u32 $0x7E00, s25;
	s21 =	sor.u32 $0x10, s23;
	[sflag:s16] =	ssyncadd.s32 $0xFFFF8000  }
0x3b: {  	s29 =	sadd.s32 $0xA000, s25;
	s22 =	sor.u32 s21, s26;
	v2 =	vld [tilespmem:s28+$0x0]  }
0x3c: {  	s31 =	sor.u32 s21, s29;
	v0 =	vld [tilespmem:s22+$0x0]  }
0x3d: {  	s30 =	sadd.s32 $0xA080, s25;
	s24 =	sor.u32 s23, s29;
	v1 =	vld [tilespmem:s31+$0x0]  }
0x3e: {  	s29 =	sor.u32 s23, s30;
	v4 =	vld [tilespmem:s24+$0x0]  }
0x3f: {  	s28 =	sor.u32 s21, s30;
	s30 =	sadd.s32 $0xA100, s25;
	v8 =	vld [tilespmem:s29+$0x0]  }
0x40: {  	s25 =	sadd.s32 $0xA180, s25;
	v3 =	vld [tilespmem:s28+$0x0];
	s31 =	sor.u32 s23, s30  }
0x41: {  	v9 =	vimm.f32 $0.0e+00;
	s22 =	simm.s32 $0x0;
	s23 =	sor.u32 s23, s25;
	v10 =	vld [tilespmem:s31+$0x0]  }
0x42: {  	v5 =	vimm.f32 $0.0e+00;
	v7 =	vimm.f32 $0.0e+00;
	v6 =	vimm.f32 $0.0e+00;
	s24 =	simm.s32 $0x20;
	s26 =	sor.u32 s21, s30;
	v11 =	vld [tilespmem:s23+$0x0];
	s23 =	simm.s32 $0x80  }
.LBB2_5:
0x43: {  	s28 =	sand.u32 $0x60, s24;
	s29 =	sand.u32 $0x1F80, s24;
	v12 =	vld [tilespmem:s26+$0x0];
	s25 =	sor.u32 s21, s25  }
0x44: {  	s26 =	sshra.s32 s23, $0x2;
	s30 =	sand.u32 $0x7E00, s23;
	s21 =	sor.u32 $0x10, s28;
	v13 =	vld [tilespmem:s25+$0x0]  }
0x45: {  	v15 =	vmul.f32 v1, v0;
	v16 =	vmul.f32 v3, v0;
	s25 =	sadd.s32 $0xA000, s30;
	v14 =	vld [tilespmem:s26+$0x0];
	s26 =	sor.u32 s21, s29  }
0x46: {  	s22 =	sadd.s32 $0x2, s22;
	v4 =	vmul.f32 v4, v2;
	s29 =	sadd.s32 $0xA080, s30;
	v8 =	vmul.f32 v8, v2;
	v17 =	vld [tilespmem:s26+$0x0];
	s26 =	sor.u32 s21, s25  }
0x47: {  	p0 =	slt.u32 s22, $0x1FE;
	v10 =	vmul.f32 v10, v2;
	v1 =	vld [tilespmem:s26+$0x0];
	s26 =	sor.u32 s21, s29;
	v18 =	vmul.f32 v11, v2  }
.Ltmp1:
0x48: {  	s25 =	sor.u32 s28, s25;
	v5 =	vadd.f32 v4, v5;
	v9 =	vadd.f32 v8, v9;
	v3 =	vld [tilespmem:s26+$0x0];
	v11 =	vmul.f32 v12, v0;
	(pc) =	sbr.rel @p0 .LBB2_5-.Ltmp1, $4  }
0x49: {  	s26 =	sadd.s32 $0xA100, s30;
	v7 =	vadd.f32 v10, v7;
	v4 =	vld [tilespmem:s25+$0x0];
	s25 =	sor.u32 s28, s29;
	v6 =	vadd.f32 v18, v6;
	v12 =	vmul.f32 v13, v0  }
0x4a: {  	v5 =	vadd.f32 v15, v5;
	s29 =	sor.u32 s28, s26;
	v9 =	vadd.f32 v16, v9;
	v8 =	vld [tilespmem:s25+$0x0];
	s25 =	sadd.s32 $0xA180, s30;
	v2 =	vmov v14  }
0x4b: {  	v7 =	vadd.f32 v11, v7;
	v10 =	vld [tilespmem:s29+$0x0];
	s28 =	sor.u32 s28, s25;
	v6 =	vadd.f32 v12, v6;
	v0 =	vmov v17  }
0x4c: {  	s23 =	sadd.s32 $0x80, s23;
	s24 =	sadd.s32 $0x20, s24;
	s26 =	sor.u32 s21, s26;
	v11 =	vld [tilespmem:s28+$0x0]  }
0x4d: {  	v12 =	vld [tilespmem:s26+$0x0];
	s21 =	sor.u32 s21, s25  }
0x4e: {  	v13 =	vld [tilespmem:s21+$0x0];
	v4 =	vmul.f32 v4, v2  }
0x4f: {  	v8 =	vmul.f32 v8, v2  }
0x50: {  	v1 =	vmul.f32 v1, v0;
	v10 =	vmul.f32 v10, v2;
	v4 =	vadd.f32 v4, v5  }
0x51: {  	v3 =	vmul.f32 v3, v0;
	s19 =	sadd.s32 $0x1, s19;
	v59 =	vmul.f32 v11, v2;
	v60 =	vadd.f32 v8, v9  }
0x52: {  	p0 =	sne.s32 s19, $0x8;
	v61 =	vmul.f32 v12, v0;
	v7 =	vadd.f32 v10, v7;
	v1 =	vadd.f32 v1, v4  }
.Ltmp2:
0x53: {  	v2 =	vadd.f32 v59, v6;
	v62 =	vmul.f32 v13, v0;
	v3 =	vadd.f32 v3, v60;
	(pc) =	sbr.rel @p0 .LBB2_2-.Ltmp2, $4  }
0x54: {  	v63 =	vadd.f32 v61, v7;
	[tilespmem:s20+$0x12040] =	vst v1  }
0x55: {  	v0 =	vadd.f32 v62, v2;
	[tilespmem:s20+$0x12050] =	vst v3  }
0x56: {  	[tilespmem:s20+$0x12060] =	vst v63  }
0x57: {  	[tilespmem:s20+$0x12070] =	vst v0  }
0x58: {  	s18 =	sadd.s32 $0x1, s18  }
0x59: {  	p0 =	sne.s32 s18, s9  }
.Ltmp3:
0x5a: {  	_ = 	snop;
	(pc) =	sbr.rel @p0 .LBB2_1-.Ltmp3, $4  }
0x5b: {  	[hbm4b:s8+s3] =	stream.linear.scatter [tilespmem:s17], [sflag:$0x3], $0x400, $0x38;
	[tilespmem:$0x12400] =	vst v63  }
0x5c: {  	_ =	swait.ge [sflag:s10], $0x400  }
0x5d: {  	[sflag:s10] =	ssyncset.done $0x0  }
0x5e: {  	[sflag:s10] =	ssyncadd.s32 $0xFFFFFC00  }
0x5f: {  	_ =	sfence.sel $0x180000  }
0x60: {  	[bflag:$0x0] =	sbarrier.arrive $0xFFFF  }
0x61: {  	p0 =	sne.s32 s2, $0x0;
	_ =	strace $0x90000047  }
0x62: {  	s0 =	sadd.s32 @!p0 $0x100000, s0;
	[bflag:$0x2] =	sbarrier.arrive $0xFFFF  }
0x63: {  	[sflag:s0] =	ssyncadd.tile.s32 @!p0 $0x1;
	_ =	shalt  }
.Lfunc_end2:
_tile_overlayer_lowered:
.L_overlay_start_2:
0x64: {  	(tag) =	ssettag $0x2  }
0x65: {  	s0 =	rddreg [dreg:$0x0];
	s2 =	stileid.u32  }
0x66: {  	s1 =	rddreg [dreg:$0x1];
	p0 =	sne.s32 s2, $0x0  }
0x67: {  	s3 =	rddreg [dreg:$0x2];
	[bflag:$0x3] =	sbarrier.arrive $0xFFFF;
	s2 =	simm.s32 @!p0 $0x1C03  }
0x68: {  	[timem:s3], [sflag:s2] =	dma.local @!p0 [hbm:s0], s1  }
0x69: {  	s0 =	simm.s32 @!p0 $0x3  }
0x6a: {  	_ =	swait.ge @!p0 [sflag:s0], s1  }
0x6b: {  	s1 =	ssub.s32 @!p0 $0x0, s1;
	[sflag:s0] =	ssyncset.done @!p0 $0x0  }
0x6c: {  	[sflag:s0] =	ssyncadd.s32 @!p0 s1  }
0x6d: {  	[bflag:$0x3] =	sbarrier.arrive $0xFFFF  }
0x6e: {  	_ =	shalt  }

</sc_bundles>
